<compile_context>
chip_gen: v7x
topology: tpu7x:2x2x1
jax: 0.10.2.dev20260603
libtpu: 0.0.44.dev20260713+nightly
codegen_flags: <defaults>
</compile_context>

<pallas_src>
import jax
import jax.numpy as jnp
from jax.experimental import pallas as pl

_BM = 512


def _mm_kernel(x_ref, w_ref, b_ref, o_ref):
    acc = jnp.dot(x_ref[...], w_ref[...], preferred_element_type=jnp.float32)
    o_ref[...] = acc + b_ref[...]


def kernel(input, weight, bias):
    M, K = input.shape
    _, N = weight.shape
    bias2d = bias.reshape(1, N)
    xb = jax.lax.bitcast_convert_type(input, jnp.bfloat16).reshape(M, 2 * K)
    wb = jax.lax.bitcast_convert_type(weight, jnp.bfloat16).reshape(K, 2 * N)
    return pl.pallas_call(
        _mm_kernel,
        grid=(M // _BM,),
        in_specs=[
            pl.BlockSpec((_BM, K), lambda i: (i, 0)),
            pl.BlockSpec((K, N), lambda i: (0, 0)),
            pl.BlockSpec((1, N), lambda i: (0, 0)),
        ],
        out_specs=pl.BlockSpec((_BM, N), lambda i: (i, 0)),
        out_shape=jax.ShapeDtypeStruct((M, N), jnp.float32),
    )(xb, wb, bias2d)

# --- scband reference (transcript-rebuilt; emitter-appended) ---
"""Pipeline reference for scband-sparse-linear-20237885898814 (READ-ONLY COPY).

The authoritative reference and input builder live on the scoring server;
editing this copy changes nothing except your own understanding.
"""

import jax, jax.numpy as jnp
import numpy as np
import math

IN_FEATURES = 4096
OUT_FEATURES = 1024
N_ROWS = 4096


def setup_inputs(seed: int = 0) -> dict:
    key = jax.random.key(seed)
    k1, k2, k3 = jax.random.split(key, 3)
    inp = jax.random.normal(k1, (N_ROWS, IN_FEATURES), dtype=jnp.float32)
    # xavier_normal_ on weight of shape (in_features, out_features):
    # std = sqrt(2 / (fan_in + fan_out)) with fan_in=in_features, fan_out=out_features
    std = math.sqrt(2.0 / (IN_FEATURES + OUT_FEATURES))
    weight = jax.random.normal(k2, (IN_FEATURES, OUT_FEATURES), dtype=jnp.float32) * std
    # bias uniform(-bound, bound), bound = 1/sqrt(fan_in)
    bound = 1.0 / math.sqrt(IN_FEATURES)
    bias = jax.random.uniform(k3, (OUT_FEATURES,), dtype=jnp.float32, minval=-bound, maxval=bound)
    return {"input": inp, "weight": weight, "bias": bias}


def reference(input, weight, bias):
    # torch.sparse.mm(input, weight) computes the same matmul as dense mm;
    # weight here is stored as (in_features, out_features), i.e. already transposed
    # relative to nn.Linear, so no transpose is needed.
    output = jnp.dot(input, weight)
    output = output + bias
    return output

if __name__ == "__main__":
    import jax
    _d = setup_inputs()
    print(jax.jit(kernel)(*tuple(_d.values())))

</pallas_src>

<mosaic_0001>
module attributes {stable_mosaic.version = 14 : i64} {
  func.func @_mm_kernel(%arg0: i32, %arg1: memref<512x4096xbf16, #tpu.memory_space<vmem>>, %arg2: memref<4096x1024xbf16, #tpu.memory_space<vmem>>, %arg3: memref<1x1024xf32, #tpu.memory_space<vmem>>, %arg4: memref<512x1024xf32, #tpu.memory_space<vmem>>) attributes {dimension_semantics = [#tpu.dimension_semantics<arbitrary>], iteration_bounds = array<i64: 8>, scalar_prefetch = 0 : i64, scratch_operands = 0 : i64, tpu.core_type = #tpu.core_type<tc>, window_params = [{transform_indices = @transform_0, window_bounds = array<i64: 512, 4096>}, {transform_indices = @transform_1, window_bounds = array<i64: 4096, 1024>}, {pipeline_mode = #tpu.pipeline_mode<synchronous>, transform_indices = @transform_2, window_bounds = array<i64: 1, 1024>}, {transform_indices = @transform_3, window_bounds = array<i64: 512, 1024>}]} {
    %get3A = arith.constant 0 : index
    %get3A_0 = arith.constant 0 : index
    %get3A_1 = vector.load %arg1[%get3A, %get3A_0] : memref<512x4096xbf16, #tpu.memory_space<vmem>>, vector<512x4096xbf16>
    %get3A_2 = arith.constant 0 : index
    %get3A_3 = arith.constant 0 : index
    %get3A_4 = vector.load %arg2[%get3A_2, %get3A_3] : memref<4096x1024xbf16, #tpu.memory_space<vmem>>, vector<4096x1024xbf16>
    %dot_general3A = arith.constant dense<0.000000e+00> : vector<512x1024xf32>
    %dot_general3A_5 = tpu.matmul %get3A_1, %get3A_4, %dot_general3A {dimension_numbers = #tpu.dot_dimension_numbers<[1], [0], [0], [1], [0, 0, 1, 1], [], []>, transpose_lhs_hint = false} : vector<512x4096xbf16>, vector<4096x1024xbf16>, vector<512x1024xf32> -> vector<512x1024xf32>
    %get3A_6 = arith.constant 0 : index
    %get3A_7 = arith.constant 0 : index
    %get3A_8 = vector.load %arg3[%get3A_6, %get3A_7] : memref<1x1024xf32, #tpu.memory_space<vmem>>, vector<1x1024xf32>
    %add3A = vector.broadcast %get3A_8 : vector<1x1024xf32> to vector<512x1024xf32>
    %add3A_9 = arith.addf %dot_general3A_5, %add3A : vector<512x1024xf32>
    %swap3A = arith.constant 0 : index
    %swap3A_10 = arith.constant 0 : index
    %swap3A_11 = vector.load %arg4[%swap3A, %swap3A_10] : memref<512x1024xf32, #tpu.memory_space<vmem>>, vector<512x1024xf32>
    tpu.vector_store %arg4[%swap3A, %swap3A_10], %add3A_9 {strides = array<i32>} : memref<512x1024xf32, #tpu.memory_space<vmem>>, vector<512x1024xf32>,
    return
  }
  func.func @transform_0(%arg0: i32) -> (i32, i32) {
    %c0_i32 = arith.constant 0 : i32
    %c0_i32_0 = arith.constant 0 : i32
    return %arg0, %c0_i32 : i32, i32
  }
  func.func @transform_1(%arg0: i32) -> (i32, i32) {
    %c0_i32 = arith.constant 0 : i32
    %c0_i32_0 = arith.constant 0 : i32
    %c0_i32_1 = arith.constant 0 : i32
    return %c0_i32, %c0_i32_0 : i32, i32
  }
  func.func @transform_2(%arg0: i32) -> (i32, i32) {
    %c0_i32 = arith.constant 0 : i32
    %c0_i32_0 = arith.constant 0 : i32
    %c0_i32_1 = arith.constant 0 : i32
    return %c0_i32, %c0_i32_0 : i32, i32
  }
  func.func @transform_3(%arg0: i32) -> (i32, i32) {
    %c0_i32 = arith.constant 0 : i32
    %c0_i32_0 = arith.constant 0 : i32
    return %arg0, %c0_i32 : i32, i32
  }
}

</mosaic_0001>

<sc_bundles>
// kernel: sparse-core-data-format-call.1.cloned.1.call-start
scs
called_computation.1_lowered:
.L_overlay_start_0:
0x0: {  	s2 =	sld [smem:$0x3FD9]  }
0x1: {  	s3 =	sld [smem:$0x3FFE];
	_ =	sdelay $0x1  }
0x2: {  	s1 =	srdreg.scid  }
0x3: {  	s0 =	sand.u32 $0x1, s1  }
0x4: {  	s18 =	sshll.u32 s0, $0xA;
	s2 =	sadd.s32 s3, s2  }
0x5: {  	s2 =	sadd.s32 s2, s18  }
0x6: {  	[smem:$0x3FC5] =	sst s2  }
0x7: {  	_ = 	snop  }
0x8: {  	(tm) =	ssettm $0x1  }
0x9: {  	s19 =	sld [smem:$0x3FFB];
	_ =	sdelay $0x3  }
0xa: {  	_ =	strace s19  }
0xb: {  	s2 =	sld [smem:$0x3FFC];
	_ =	sdelay $0x3  }
0xc: {  	_ =	strace s2  }
0xd: {  	s2 =	sld [smem:$0x3FFD];
	_ =	sdelay $0x3  }
0xe: {  	_ =	strace s2  }
0xf: {  	_ =	strace $0x8FFFFFFF  }
0x10: {  	s20 =	sld [smem:$0x3FDB];
	_ =	sdelay $0x1  }
0x11: {  	s21 =	simm.s32 $_scs_section_size  }
0x12: {  	s4 =	simm.s32 $_size__tile_overlayer_lowered;
	s5 =	simm.s32 $_tile_overlayer_lowered  }
0x13: {  	s6 =	simm.s32 $0x1BFF;
	s22 =	sshll.u32 s5, $0x1;
	s3 =	sadd.s32 s21, s20  }
0x14: {  	s23 =	simm.s32 $0x0;
	s4 =	sshll.u32 s4, $0x1;
	s5 =	sadd.s32 s22, s3  }
0x15: {  	[timem:s23], [sflag:s6] =	dma.local [hbm:s5], s4  }
0x16: {  	_ =	swait.ge [sflag:s6], s4  }
0x17: {  	s4 =	ssub.s32 $0x0, s4;
	[sflag:s6] =	ssyncset.done $0x0  }
0x18: {  	[sflag:s6] =	ssyncadd.s32 s4;
	_ =	sdelay $0x1  }
0x19: {  	s24 =	simm.s32 $0x1B8B  }
0x1a: {  	_ =	swait.ge [sflag:s24], $0x1  }
0x1b: {  	[sflag:s24] =	ssyncset.done $0x0  }
0x1c: {  	[sflag:s24] =	ssyncadd.s32 $0xFFFFFFFF  }
0x1d: {  	s4 =	sld [smem:$0x0]  }
0x1e: {  	s5 =	sand.u32 $0xFFFFFFFE, s1  }
0x1f: {  	p0 =	sne.s32 s1, s5  }
0x20: {  	s5 =	sshll.u32 @p0 s5, $0xE  }
0x21: {  	s5 =	sadd.s32 @p0 $0x11B8D, s5;
	s6 =	sshll.u32 @p0 s4, $0x11  }
0x22: {  	s5 =	sor.u32 @p0 s6, s5  }
0x23: {  	[sflag:s5] =	ssyncadd.remote.s32 @p0 $0x1;
	_ =	sdelay $0x1  }
0x24: {  	s5 =	simm.s32 @p0 $0x1B8D  }
0x25: {  	_ =	swait.eq @p0 [sflag:s5], $0x1  }
0x26: {  	[sflag:s5] =	ssyncadd.s32 @p0 $0xFFFFFFFF  }
0x27: {  	s6 =	sshll.u32 @!p0 s1, $0xE  }
0x28: {  	s6 =	sor.u32 @!p0 $0x4000, s6;
	s5 =	simm.s32 @!p0 $0x1B8D  }
0x29: {  	s4 =	sshll.u32 @!p0 s4, $0x11;
	s6 =	sadd.s32 @!p0 $0x11B8D, s6;
	_ =	swait.eq @!p0 [sflag:s5], $0x1  }
0x2a: {  	s4 =	sor.u32 @!p0 s4, s6;
	[sflag:s5] =	ssyncadd.s32 @!p0 $0xFFFFFFFF  }
0x2b: {  	s26 =	simm.s32 $0x1B8E;
	s25 =	sld [smem:$0x3FFE];
	[sflag:s4] =	ssyncadd.remote.s32 @!p0 $0x1  }
0x2c: {  	s27 =	simm.s32 $execute0_lowered;
	[smem:$0x3FD2] =	sst s26  }
0x2d: {  	s5 =	sshll.u32 s27, $0x1;
	_ =	strace $0x8000004C;
	[dreg:$0x1] =	wrdreg $0xFFFFFFFF  }
0x2e: {  	s28 =	simm.s32 $_size_execute0_lowered;
	s3 =	sadd.s32 s3, s5;
	[dreg:$0x0] =	wrdreg $0x0  }
0x2f: {  	s5 =	sshll.u32 s28, $0x1;
	[dreg:$0x2] =	wrdreg s3  }
0x30: {  	[dreg:$0x3] =	wrdreg s5  }
0x31: {  	[dreg:$0x4] =	wrdreg $0xC0  }
0x32: {  	_ =	task [dreg:s23], $0x5FFFF  }
0x33: {  	[dreg:$0x1] =	wrdreg $0xFFFFFFFF  }
0x34: {  	[dreg:$0x0] =	wrdreg $0x60  }
0x35: {  	[dreg:$0x2] =	wrdreg s25  }
0x36: {  	[dreg:$0x3] =	wrdreg $0xA  }
0x37: {  	_ =	task.clear_ibuf [dreg:s23], $0x4FFFF;
	_ =	strace $0x9000004C  }
0x38: {  	s29 =	simm.s32 $0xA;
	_ =	strace $0x8000004E  }
0x39: {  	_ =	swait.ge [sflag:s29], $0x1  }
0x3a: {  	[sflag:s29] =	ssyncadd.s32 $0xFFFFFFFF  }
0x3b: {  	_ =	strace $0x9000004E  }
0x3c: {  	_ =	sfence  }
0x3d: {  	s30 =	sld [smem:$0x0];
	_ =	sdelay $0x2  }
0x3e: {  	s31 =	sshll.u32 s1, $0xD;
	s1 =	sshrl.u32 s1, $0x2  }
0x3f: {  	s4 =	sand.u32 $0x4000, s31;
	s1 =	sadd.s32 s1, s30  }
0x40: {  	s0 =	sor.u32 s4, s0;
	s1 =	sshll.u32 s1, $0x11  }
0x41: {  	s0 =	sor.u32 s1, s0  }
0x42: {  	s0 =	sadd.s32 $0x8F2B, s0  }
0x43: {  	[sflag:s0] =	ssyncadd.remote.s32 $0x1  }
0x44: {  	_ =	sfence.sel $0xFFFF  }
0x45: {  	[dreg:$0x0] =	wrdreg $0xFFFFFFFF;
	(pc) =	sbr.abs _section_cstart, $3  }
0x46: {  	[dreg:$0x1] =	wrdreg $0xFFFFFFFF  }
0x47: {  	_ =	task.clear_ibuf [dreg:s23], $0x2FFFF;
	_ =	strace $0x9FFFFFFF  }
0x48: {  	(tm) =	ssettm $0x7FFFFFFF  }
0x49: {  	_ =	shalt  }
tec
execute0_lowered:
.L_overlay_start_1:
0x0: {  	(tag) =	ssettag $0x1  }
0x1: {  	s0 =	srdreg.scid  }
0x2: {  	s1 =	sshll.u32 s0, $0x4  }
0x3: {  	s6 =	rddreg [dreg:$0x0];
	s0 =	stileid.u32;
	s1 =	sand.u32 $0x10, s1  }
0x4: {  	s5 =	simm.s32 $0x1;
	s31 =	simm.s32 $0x2;
	s1 =	sor.u32 s0, s1  }
0x5: {  	s13 =	simm.s32 $0x0;
	s8 =	simm.s32 $0x10000;
	s2 =	sshll.u32 s1, $0x7  }
0x6: {  	s12 =	simm.s32 $0x0;
	s9 =	simm.s32 $0x0;
	s3 =	ssub.s32 $0x2000, s2  }
0x7: {  	s11 =	simm.s32 $0x0;
	s1 =	rddreg [dreg:$0x1];
	s4 =	sand.u32 $0xF80, s3  }
.Ltmp0:
0x8: {  	_ =	strace $0x8000004D;
	p0 =	sne.s32 s4, $0x0;
	(pc) =	sbr.rel .LBB1_1-.Ltmp0, $4  }
0x9: {  	s10 =	smov.u32 s2;
	s7 =	sshrl.u32 s3, $0xC;
	s5 =	simm.s32 @!p0 $0x0  }
0xa: {  	s3 =	sadd.s32 $0x1000, s6;
	s4 =	simm.s32 $0x1;
	s5 =	sadd.s32 s5, s7  }
0xb: {  	s6 =	sadd.s32 $0x601000, s6;
	[sflag:s4] =	ssyncpa.u1 $0x0;
	s5 =	sshll.u32 s5, $0x5  }
0xc: {  	p0 =	por $0x0, $0x0;
	[sflag:s31] =	ssyncpa.u1 $0x0;
	s7 =	sor.u32 $0x1, s5  }
.LBB1_4:
0xd: {  	v5 =	vld [tilespmem:s16+$0xFFFFFFD0]  }
0xe: {  	[tilespmem:s17+$0x2040 ss:$0x81] =	vst.msk $0xffff, v1;
	v58 =	vld [tilespmem:s16+$0xFFFFFFE0]  }
0xf: {  	[tilespmem:s17+$0x2850 ss:$0x81] =	vst.msk $0xffff, v2;
	v59 =	vld [tilespmem:s16+$0xFFFFFFF0]  }
0x10: {  	s18 =	sshra.s32 s18, $0x2;
	[tilespmem:s17+$0x3060 ss:$0x81] =	vst.msk $0xffff, v3;
	v60 =	vld [tilespmem:s16+$0x0]  }
0x11: {  	[tilespmem:s17+$0x0 ss:$0x81] =	vst.msk $0xffff, v0;
	v61 =	vld [tilespmem:s16+$0x10];
	s15 =	sadd.s32 s18, s15  }
0x12: {  	s26 =	sshll.u32 s13, $0xD;
	v62 =	vld [tilespmem:s16+$0x20];
	[tilespmem:s15+$0x3870 ss:$0x81] =	vst.msk $0xffff, v4  }
0x13: {  	s27 =	sand.u32 $0x78, s12;
	s19 =	sshll.u32 s12, $0x3;
	v63 =	vld [tilespmem:s16+$0xFFFFFFC0];
	s29 =	sshll.u32 s13, $0x7;
	[tilespmem:s15+$0x810 ss:$0x81] =	vst.msk $0xffff, v5  }
0x14: {  	s17 =	sand.u32 $0x1FF0000, s26;
	s28 =	sand.u32 $0x1FFFC00, s19;
	s19 =	sand.u32 $0x1C00, s19;
	[tilespmem:s15+$0x1020 ss:$0x81] =	vst.msk $0xffff, v58  }
0x15: {  	s13 =	sand.u32 $0x380, s29;
	s16 =	sadd.s32 s28, s17;
	s30 =	sor.u32 s27, s19;
	[tilespmem:s15+$0x1830 ss:$0x81] =	vst.msk $0xffff, v59  }
0x16: {  	s16 =	sand.u32 $0x1FFE000, s16;
	s13 =	sor.u32 s13, s30;
	[tilespmem:s15+$0x2040 ss:$0x81] =	vst.msk $0xffff, v60  }
0x17: {  	s31 =	sand.u32 $0x7, s12;
	s13 =	sor.u32 s16, s13;
	[tilespmem:s15+$0x2850 ss:$0x81] =	vst.msk $0xffff, v61  }
0x18: {  	s12 =	sshll.u32 s31, $0x12;
	[tilespmem:s15+$0x3060 ss:$0x81] =	vst.msk $0xffff, v62;
	s13 =	sshrl.u32 s13, $0x3  }
0x19: {  	s12 =	sor.u32 $0x400, s12;
	[tilespmem:s15+$0x0 ss:$0x81] =	vst.msk $0xffff, v63;
	s13 =	sadd.s32 s6, s13  }
0x1a: {  	[hbm4b:s13+s12] =	stream.strided.scatter [tilespmem:s14], [sflag:$0x2], $0x4000, s8, s12, $0x20;
	[tilespmem:$0x10100] =	vst v63  }
.LBB1_5:
0x1b: {  	s14 =	sadd.s32 $0x80, s9  }
0x1c: {  	s12 =	sadd.s32 $0x1000, s10;
	s16 =	smov.u32 s10;
	p2 =	sgt.s32 s14, $0xFFF  }
0x1d: {  	s16 =	smov.u32 @p2 s12  }
0x1e: {  	s14 =	simm.s32 @p2 $0x0;
	p2 =	sgt.s32 s16, $0x1FFF  }
0x1f: {  	s16 =	smov.u32 @p2 s2;
	p2 =	sne.s32 s11, s7  }
.Ltmp1:
0x20: {  	p1 =	slt.u32 s11, $0x2;
	(pc) =	sbr.rel @!p2 .LBB1_6-.Ltmp1, $4  }
0x21: {  	s15 =	simm.s32 @!p1 $0x2  }
0x22: {  	s13 =	smov.u32 s9;
	p0 =	por !p0, !p0;
	_ =	swait.ge @!p1 [sflag:s15], $0x4000  }
0x23: {  	s12 =	smov.u32 s10;
	[sflag:s15] =	ssyncset.done @!p1 $0x0;
	s9 =	smov.u32 s14  }
0x24: {  	s11 =	sadd.s32 $0x1, s11;
	[sflag:s15] =	ssyncadd.s32 @!p1 $0xFFFFC000;
	s10 =	smov.u32 s16  }
.LBB1_1:
0x25: {  	p1 =	sge.u32 s11, s5;
	s31 =	sadd.s32 $0xFFFFFFFF, s11  }
0x26: {  	s14 =	sand.u32 @!p1 $0x78, s9;
	s15 =	sshll.u32 @!p1 s10, $0xC;
	s16 =	sshll.u32 @!p1 s10, $0x7  }
0x27: {  	s17 =	sshll.u32 @!p1 s9, $0x3;
	s15 =	sand.u32 @!p1 $0x1FF8000, s15;
	s16 =	sand.u32 @!p1 $0x380, s16  }
0x28: {  	s15 =	sadd.s32 @!p1 s15, s17;
	s17 =	sand.u32 @!p1 $0xC00, s17;
	s14 =	sor.u32 @!p1 s16, s14  }
0x29: {  	s16 =	sxor.u32 @!p1 $0xFFFFFFFF, s11;
	s15 =	sand.u32 @!p1 $0x1FFF000, s15;
	s14 =	sor.u32 @!p1 s17, s14  }
0x2a: {  	s16 =	sshll.u32 @!p1 s16, $0xE;
	s14 =	sor.u32 @!p1 s15, s14;
	s15 =	sand.u32 @!p1 $0x7, s9  }
0x2b: {  	s17 =	simm.s32 @!p1 $0x8000;
	s14 =	sshrl.u32 @!p1 s14, $0x3;
	s15 =	sshll.u32 @!p1 s15, $0x12  }
0x2c: {  	s16 =	sand.u32 @!p1 $0x4000, s16;
	s14 =	sadd.s32 @!p1 s3, s14;
	s15 =	sor.u32 @!p1 $0x400, s15  }
0x2d: {  	[tilespmem:s16], [sflag:$0x1] =	stream.strided.gather @!p1 [hbm4b:s14+s15], $0x4000, s17, s15, $0x38;
	[tilespmem:$0x10100] =	vst v63  }
0x2e: {  	p1 =	sge.u32 s31, s5  }
.Ltmp2:
0x2f: {  	_ = 	snop;
	(pc) =	sbr.rel @p1 .LBB1_5-.Ltmp2, $1  }
0x30: {  	_ =	sdelay $0x3  }
0x31: {  	s14 =	simm.s32 $0x1  }
0x32: {  	_ =	swait.ge [sflag:s4], $0x4000;
	s14 =	simm.s32 @!p0 $0x0  }
0x33: {  	[sflag:s4] =	ssyncset.done $0x0;
	s15 =	sshll.u32 s14, $0xE  }
0x34: {  	[sflag:s4] =	ssyncadd.s32 $0xFFFFC000;
	s16 =	sor.u32 $0x40, s15  }
0x35: {  	s14 =	smul.u32 $0x10200, s14;
	v0 =	vld [tilespmem:s16+$0x30]  }
0x36: {  	v3 =	vld [tilespmem:s16+$0xFFFFFFD0]  }
0x37: {  	s14 =	sshrl.u32 s14, $0x2;
	v4 =	vld [tilespmem:s16+$0xFFFFFFE0]  }
0x38: {  	v5 =	vld [tilespmem:s16+$0xFFFFFFF0];
	s15 =	sor.u32 $0x8000, s14  }
0x39: {  	s31 =	sand.u32 $0x1, s11;
	v1 =	vld [tilespmem:s16+$0x0];
	s17 =	sadd.s32 $0x0, s15  }
0x3a: {  	v2 =	vld [tilespmem:s16+$0x10];
	s14 =	smul.u32 $0x10200, s31;
	[tilespmem:s17+$0x3870 ss:$0x81] =	vst.msk $0xffff, v0  }
0x3b: {  	[tilespmem:s17+$0x810 ss:$0x81] =	vst.msk $0xffff, v3;
	v3 =	vld [tilespmem:s16+$0x20]  }
0x3c: {  	s14 =	sshrl.u32 s14, $0x2;
	v0 =	vld [tilespmem:s16+$0xFFFFFFC0];
	[tilespmem:s17+$0x1020 ss:$0x81] =	vst.msk $0xffff, v4;
	s16 =	sadd.s32 $0x80, s16  }
0x3d: {  	s18 =	simm.s32 $0x4;
	s19 =	simm.s32 $0x8;
	s14 =	sor.u32 $0x8000, s14;
	[tilespmem:s17+$0x1830 ss:$0x81] =	vst.msk $0xffff, v5;
	v4 =	vld [tilespmem:s16+$0x30]  }
.LBB1_3:
0x3e: {  	p1 =	sne.s32 s19, $0x1FC;
	v5 =	vld [tilespmem:s16+$0xFFFFFFD0];
	[tilespmem:s17+$0x2040 ss:$0x81] =	vst.msk $0xffff, v1  }
0x3f: {  	v6 =	vld [tilespmem:s16+$0xFFFFFFE0];
	[tilespmem:s17+$0x2850 ss:$0x81] =	vst.msk $0xffff, v2  }
0x40: {  	s20 =	sshra.s32 s18, $0x2;
	s18 =	smov.u32 s19;
	v7 =	vld [tilespmem:s16+$0xFFFFFFF0];
	[tilespmem:s17+$0x3060 ss:$0x81] =	vst.msk $0xffff, v3  }
.Ltmp3:
0x41: {  	v1 =	vld [tilespmem:s16+$0x0];
	[tilespmem:s17+$0x0 ss:$0x81] =	vst.msk $0xffff, v0;
	s17 =	sadd.s32 s20, s15;
	(pc) =	sbr.rel @p1 .LBB1_3-.Ltmp3, $4  }
0x42: {  	v2 =	vld [tilespmem:s16+$0x10];
	[tilespmem:s17+$0x3870 ss:$0x81] =	vst.msk $0xffff, v4  }
0x43: {  	[tilespmem:s17+$0x810 ss:$0x81] =	vst.msk $0xffff, v5;
	v3 =	vld [tilespmem:s16+$0x20]  }
0x44: {  	v0 =	vld [tilespmem:s16+$0xFFFFFFC0];
	[tilespmem:s17+$0x1020 ss:$0x81] =	vst.msk $0xffff, v6;
	s16 =	sadd.s32 $0x80, s16  }
0x45: {  	s19 =	sadd.s32 $0x4, s19;
	v4 =	vld [tilespmem:s16+$0x30];
	[tilespmem:s17+$0x1830 ss:$0x81] =	vst.msk $0xffff, v7  }
.Ltmp4:
0x46: {  	_ = 	snop;
	(pc) =	sbr.rel .LBB1_4-.Ltmp4, $1  }
0x47: {  	_ =	sdelay $0x3  }
.LBB1_6:
0x48: {  	_ =	sfence.sel $0x180000  }
0x49: {  	s2 =	simm.s32 $0x1;
	[bflag:$0x0] =	sbarrier.arrive $0xFFFF  }
0x4a: {  	s31 =	simm.s32 $0x2;
	[sflag:s2] =	ssyncpa.u1 $0x1  }
0x4b: {  	[sflag:s31] =	ssyncpa.u1 $0x1  }
0x4c: {  	p0 =	sne.s32 s0, $0x0;
	_ =	strace $0x9000004D  }
0x4d: {  	s0 =	sadd.s32 @!p0 $0x100000, s1;
	[bflag:$0x2] =	sbarrier.arrive $0xFFFF  }
0x4e: {  	[sflag:s0] =	ssyncadd.tile.s32 @!p0 $0x1;
	_ =	shalt  }
.Lfunc_end1:
_tile_overlayer_lowered:
.L_overlay_start_2:
0x4f: {  	(tag) =	ssettag $0x2  }
0x50: {  	s0 =	rddreg [dreg:$0x0];
	s2 =	stileid.u32  }
0x51: {  	s1 =	rddreg [dreg:$0x1];
	p0 =	sne.s32 s2, $0x0  }
0x52: {  	s3 =	rddreg [dreg:$0x2];
	[bflag:$0x3] =	sbarrier.arrive $0xFFFF;
	s2 =	simm.s32 @!p0 $0x1C01  }
0x53: {  	[timem:s3], [sflag:s2] =	dma.local @!p0 [hbm:s0], s1  }
0x54: {  	s0 =	simm.s32 @!p0 $0x1  }
0x55: {  	_ =	swait.ge @!p0 [sflag:s0], s1  }
0x56: {  	s1 =	ssub.s32 @!p0 $0x0, s1;
	[sflag:s0] =	ssyncset.done @!p0 $0x0  }
0x57: {  	[sflag:s0] =	ssyncadd.s32 @!p0 s1  }
0x58: {  	[bflag:$0x3] =	sbarrier.arrive $0xFFFF  }
0x59: {  	_ =	shalt  }

// kernel: sparse-core-data-format-call.2.cloned.1.call-start
scs
called_computation.2_lowered:
.L_overlay_start_0:
0x0: {  	s1 =	sld [smem:$0x3FD9]  }
0x1: {  	s2 =	sld [smem:$0x3FFE];
	_ =	sdelay $0x1  }
0x2: {  	s3 =	srdreg.scid  }
0x3: {  	s0 =	sand.u32 $0x1, s3  }
0x4: {  	s17 =	sshll.u32 s0, $0xA;
	s1 =	sadd.s32 s2, s1  }
0x5: {  	s1 =	sadd.s32 s1, s17  }
0x6: {  	[smem:$0x3FC5] =	sst s1  }
0x7: {  	_ = 	snop  }
0x8: {  	(tm) =	ssettm $0x1  }
0x9: {  	s18 =	sld [smem:$0x3FFB];
	_ =	sdelay $0x3  }
0xa: {  	_ =	strace s18  }
0xb: {  	s1 =	sld [smem:$0x3FFC];
	_ =	sdelay $0x3  }
0xc: {  	_ =	strace s1  }
0xd: {  	s1 =	sld [smem:$0x3FFD];
	_ =	sdelay $0x3  }
0xe: {  	_ =	strace s1  }
0xf: {  	_ =	strace $0x8FFFFFFF  }
0x10: {  	s19 =	sld [smem:$0x3FDB];
	_ =	sdelay $0x1  }
0x11: {  	s20 =	simm.s32 $_scs_section_size  }
0x12: {  	s4 =	simm.s32 $_size__tile_overlayer_lowered;
	s5 =	simm.s32 $_tile_overlayer_lowered  }
0x13: {  	s23 =	simm.s32 $0x1BFF;
	s22 =	sshll.u32 s5, $0x1;
	s1 =	sadd.s32 s20, s19  }
0x14: {  	s6 =	simm.s32 $0x0;
	s21 =	sshll.u32 s4, $0x1;
	s4 =	sadd.s32 s22, s1  }
0x15: {  	[timem:s6], [sflag:s23] =	dma.local [hbm:s4], s21  }
0x16: {  	_ =	swait.ge [sflag:s23], s21  }
0x17: {  	s2 =	ssub.s32 $0x0, s21;
	[sflag:s23] =	ssyncset.done $0x0  }
0x18: {  	[sflag:s23] =	ssyncadd.s32 s2;
	_ =	sdelay $0x1  }
0x19: {  	s24 =	simm.s32 $0x1B8B  }
0x1a: {  	_ =	swait.ge [sflag:s24], $0x1  }
0x1b: {  	[sflag:s24] =	ssyncset.done $0x0  }
0x1c: {  	s26 =	simm.s32 $0x1B8E;
	s25 =	sld [smem:$0x3FFE];
	[sflag:s24] =	ssyncadd.s32 $0xFFFFFFFF  }
0x1d: {  	s27 =	simm.s32 $execute0_lowered;
	[smem:$0x3FD2] =	sst s26  }
0x1e: {  	s4 =	sshll.u32 s27, $0x1;
	_ =	strace $0x80000046;
	[dreg:$0x1] =	wrdreg $0xFFFFFFFF  }
0x1f: {  	s28 =	simm.s32 $_size_execute0_lowered;
	s1 =	sadd.s32 s1, s4;
	[dreg:$0x0] =	wrdreg $0x0  }
0x20: {  	s4 =	sshll.u32 s28, $0x1;
	[dreg:$0x2] =	wrdreg s1  }
0x21: {  	[dreg:$0x3] =	wrdreg s4  }
0x22: {  	[dreg:$0x4] =	wrdreg $0xC0  }
0x23: {  	_ =	task [dreg:s6], $0x5FFFF  }
0x24: {  	[dreg:$0x1] =	wrdreg $0xFFFFFFFF  }
0x25: {  	[dreg:$0x0] =	wrdreg $0x60  }
0x26: {  	[dreg:$0x2] =	wrdreg s25  }
0x27: {  	[dreg:$0x3] =	wrdreg $0xA  }
0x28: {  	_ =	task.clear_ibuf [dreg:s6], $0x4FFFF;
	_ =	strace $0x90000046  }
0x29: {  	s29 =	simm.s32 $0xA;
	_ =	strace $0x80000048  }
0x2a: {  	_ =	swait.ge [sflag:s29], $0x1  }
0x2b: {  	[sflag:s29] =	ssyncadd.s32 $0xFFFFFFFF  }
0x2c: {  	_ =	strace $0x90000048  }
0x2d: {  	_ =	sfence  }
0x2e: {  	s30 =	sld [smem:$0x0];
	_ =	sdelay $0x2  }
0x2f: {  	s31 =	sshll.u32 s3, $0xD;
	s3 =	sshrl.u32 s3, $0x2  }
0x30: {  	s2 =	sand.u32 $0x4000, s31;
	s1 =	sadd.s32 s3, s30  }
0x31: {  	s0 =	sor.u32 s2, s0;
	s1 =	sshll.u32 s1, $0x11  }
0x32: {  	s0 =	sor.u32 s1, s0  }
0x33: {  	s0 =	sadd.s32 $0x8F2B, s0  }
0x34: {  	[sflag:s0] =	ssyncadd.remote.s32 $0x1  }
0x35: {  	_ =	sfence.sel $0xFFFF  }
0x36: {  	[dreg:$0x0] =	wrdreg $0xFFFFFFFF;
	(pc) =	sbr.abs _section_cstart, $3  }
0x37: {  	[dreg:$0x1] =	wrdreg $0xFFFFFFFF  }
0x38: {  	_ =	task.clear_ibuf [dreg:s6], $0x2FFFF;
	_ =	strace $0x9FFFFFFF  }
0x39: {  	(tm) =	ssettm $0x7FFFFFFF  }
tec
execute0_lowered:
.L_overlay_start_1:
0x0: {  	(tag) =	ssettag $0x1  }
0x1: {  	s0 =	srdreg.scid  }
0x2: {  	s1 =	sshll.u32 s0, $0x4  }
0x3: {  	s6 =	rddreg [dreg:$0x0];
	s0 =	stileid.u32;
	s1 =	sand.u32 $0x10, s1  }
0x4: {  	s5 =	simm.s32 $0x1;
	s31 =	simm.s32 $0x2;
	s1 =	sor.u32 s0, s1  }
0x5: {  	s13 =	simm.s32 $0x0;
	s8 =	simm.s32 $0x8000;
	s2 =	sshll.u32 s1, $0x7  }
0x6: {  	s12 =	simm.s32 $0x0;
	s9 =	simm.s32 $0x0;
	s3 =	ssub.s32 $0x1000, s2  }
0x7: {  	s11 =	simm.s32 $0x0;
	s1 =	rddreg [dreg:$0x1];
	s4 =	sand.u32 $0xF80, s3  }
.Ltmp0:
0x8: {  	_ =	strace $0x80000047;
	p0 =	sne.s32 s4, $0x0;
	(pc) =	sbr.rel .LBB1_1-.Ltmp0, $4  }
0x9: {  	s10 =	smov.u32 s2;
	s7 =	sshrl.u32 s3, $0xC;
	s5 =	simm.s32 @!p0 $0x0  }
0xa: {  	s3 =	sadd.s32 $0x1000, s6;
	s4 =	simm.s32 $0x1;
	s5 =	sadd.s32 s5, s7  }
0xb: {  	s6 =	sadd.s32 $0x201000, s6;
	[sflag:s4] =	ssyncpa.u1 $0x0;
	s5 =	sshll.u32 s5, $0x5  }
0xc: {  	p0 =	por $0x0, $0x0;
	[sflag:s31] =	ssyncpa.u1 $0x0;
	s7 =	sor.u32 $0x1, s5  }
.LBB1_4:
0xd: {  	v5 =	vld [tilespmem:s16+$0xFFFFFFD0]  }
0xe: {  	[tilespmem:s17+$0x2040 ss:$0x81] =	vst.msk $0xffff, v1;
	v58 =	vld [tilespmem:s16+$0xFFFFFFE0]  }
0xf: {  	[tilespmem:s17+$0x2850 ss:$0x81] =	vst.msk $0xffff, v2;
	v59 =	vld [tilespmem:s16+$0xFFFFFFF0]  }
0x10: {  	s18 =	sshra.s32 s18, $0x2;
	[tilespmem:s17+$0x3060 ss:$0x81] =	vst.msk $0xffff, v3;
	v60 =	vld [tilespmem:s16+$0x0]  }
0x11: {  	[tilespmem:s17+$0x0 ss:$0x81] =	vst.msk $0xffff, v0;
	v61 =	vld [tilespmem:s16+$0x10];
	s15 =	sadd.s32 s18, s15  }
0x12: {  	s26 =	sshll.u32 s13, $0xC;
	v62 =	vld [tilespmem:s16+$0x20];
	[tilespmem:s15+$0x3870 ss:$0x81] =	vst.msk $0xffff, v4  }
0x13: {  	s27 =	sand.u32 $0x78, s12;
	s19 =	sshll.u32 s12, $0x3;
	v63 =	vld [tilespmem:s16+$0xFFFFFFC0];
	s29 =	sshll.u32 s13, $0x7;
	[tilespmem:s15+$0x810 ss:$0x81] =	vst.msk $0xffff, v5  }
0x14: {  	s17 =	sand.u32 $0xFF8000, s26;
	s28 =	sand.u32 $0xFFFC00, s19;
	s19 =	sand.u32 $0xC00, s19;
	[tilespmem:s15+$0x1020 ss:$0x81] =	vst.msk $0xffff, v58  }
0x15: {  	s13 =	sand.u32 $0x380, s29;
	s16 =	sadd.s32 s28, s17;
	s30 =	sor.u32 s27, s19;
	[tilespmem:s15+$0x1830 ss:$0x81] =	vst.msk $0xffff, v59  }
0x16: {  	s16 =	sand.u32 $0xFFF000, s16;
	s13 =	sor.u32 s13, s30;
	[tilespmem:s15+$0x2040 ss:$0x81] =	vst.msk $0xffff, v60  }
0x17: {  	s31 =	sand.u32 $0x7, s12;
	s13 =	sor.u32 s16, s13;
	[tilespmem:s15+$0x2850 ss:$0x81] =	vst.msk $0xffff, v61  }
0x18: {  	s12 =	sshll.u32 s31, $0x12;
	[tilespmem:s15+$0x3060 ss:$0x81] =	vst.msk $0xffff, v62;
	s13 =	sshrl.u32 s13, $0x3  }
0x19: {  	s12 =	sor.u32 $0x400, s12;
	[tilespmem:s15+$0x0 ss:$0x81] =	vst.msk $0xffff, v63;
	s13 =	sadd.s32 s6, s13  }
0x1a: {  	[hbm4b:s13+s12] =	stream.strided.scatter [tilespmem:s14], [sflag:$0x2], $0x4000, s8, s12, $0x20;
	[tilespmem:$0x10100] =	vst v63  }
.LBB1_5:
0x1b: {  	s14 =	sadd.s32 $0x80, s9  }
0x1c: {  	s12 =	sadd.s32 $0x1000, s10;
	s16 =	smov.u32 s10;
	p2 =	sgt.s32 s14, $0xFFF  }
0x1d: {  	s16 =	smov.u32 @p2 s12  }
0x1e: {  	s14 =	simm.s32 @p2 $0x0;
	p2 =	sgt.s32 s16, $0xFFF  }
0x1f: {  	s16 =	smov.u32 @p2 s2;
	p2 =	sne.s32 s11, s7  }
.Ltmp1:
0x20: {  	p1 =	slt.u32 s11, $0x2;
	(pc) =	sbr.rel @!p2 .LBB1_6-.Ltmp1, $4  }
0x21: {  	s15 =	simm.s32 @!p1 $0x2  }
0x22: {  	s13 =	smov.u32 s9;
	p0 =	por !p0, !p0;
	_ =	swait.ge @!p1 [sflag:s15], $0x4000  }
0x23: {  	s12 =	smov.u32 s10;
	[sflag:s15] =	ssyncset.done @!p1 $0x0;
	s9 =	smov.u32 s14  }
0x24: {  	s11 =	sadd.s32 $0x1, s11;
	[sflag:s15] =	ssyncadd.s32 @!p1 $0xFFFFC000;
	s10 =	smov.u32 s16  }
.LBB1_1:
0x25: {  	p1 =	sge.u32 s11, s5;
	s31 =	sadd.s32 $0xFFFFFFFF, s11  }
0x26: {  	s14 =	sand.u32 @!p1 $0x78, s9;
	s15 =	sshll.u32 @!p1 s10, $0xC;
	s16 =	sshll.u32 @!p1 s10, $0x7  }
0x27: {  	s17 =	sshll.u32 @!p1 s9, $0x3;
	s15 =	sand.u32 @!p1 $0xFF8000, s15;
	s16 =	sand.u32 @!p1 $0x380, s16  }
0x28: {  	s15 =	sadd.s32 @!p1 s15, s17;
	s17 =	sand.u32 @!p1 $0xC00, s17;
	s14 =	sor.u32 @!p1 s16, s14  }
0x29: {  	s16 =	sxor.u32 @!p1 $0xFFFFFFFF, s11;
	s15 =	sand.u32 @!p1 $0xFFF000, s15;
	s14 =	sor.u32 @!p1 s17, s14  }
0x2a: {  	s16 =	sshll.u32 @!p1 s16, $0xE;
	s14 =	sor.u32 @!p1 s15, s14;
	s15 =	sand.u32 @!p1 $0x7, s9  }
0x2b: {  	s17 =	simm.s32 @!p1 $0x8000;
	s14 =	sshrl.u32 @!p1 s14, $0x3;
	s15 =	sshll.u32 @!p1 s15, $0x12  }
0x2c: {  	s16 =	sand.u32 @!p1 $0x4000, s16;
	s14 =	sadd.s32 @!p1 s3, s14;
	s15 =	sor.u32 @!p1 $0x400, s15  }
0x2d: {  	[tilespmem:s16], [sflag:$0x1] =	stream.strided.gather @!p1 [hbm4b:s14+s15], $0x4000, s17, s15, $0x38;
	[tilespmem:$0x10100] =	vst v63  }
0x2e: {  	p1 =	sge.u32 s31, s5  }
.Ltmp2:
0x2f: {  	_ = 	snop;
	(pc) =	sbr.rel @p1 .LBB1_5-.Ltmp2, $1  }
0x30: {  	_ =	sdelay $0x3  }
0x31: {  	s14 =	simm.s32 $0x1  }
0x32: {  	_ =	swait.ge [sflag:s4], $0x4000;
	s14 =	simm.s32 @!p0 $0x0  }
0x33: {  	[sflag:s4] =	ssyncset.done $0x0;
	s15 =	sshll.u32 s14, $0xE  }
0x34: {  	[sflag:s4] =	ssyncadd.s32 $0xFFFFC000;
	s16 =	sor.u32 $0x40, s15  }
0x35: {  	s14 =	smul.u32 $0x10200, s14;
	v0 =	vld [tilespmem:s16+$0x30]  }
0x36: {  	v3 =	vld [tilespmem:s16+$0xFFFFFFD0]  }
0x37: {  	s14 =	sshrl.u32 s14, $0x2;
	v4 =	vld [tilespmem:s16+$0xFFFFFFE0]  }
0x38: {  	v5 =	vld [tilespmem:s16+$0xFFFFFFF0];
	s15 =	sor.u32 $0x8000, s14  }
0x39: {  	s31 =	sand.u32 $0x1, s11;
	v1 =	vld [tilespmem:s16+$0x0];
	s17 =	sadd.s32 $0x0, s15  }
0x3a: {  	v2 =	vld [tilespmem:s16+$0x10];
	s14 =	smul.u32 $0x10200, s31;
	[tilespmem:s17+$0x3870 ss:$0x81] =	vst.msk $0xffff, v0  }
0x3b: {  	[tilespmem:s17+$0x810 ss:$0x81] =	vst.msk $0xffff, v3;
	v3 =	vld [tilespmem:s16+$0x20]  }
0x3c: {  	s14 =	sshrl.u32 s14, $0x2;
	v0 =	vld [tilespmem:s16+$0xFFFFFFC0];
	[tilespmem:s17+$0x1020 ss:$0x81] =	vst.msk $0xffff, v4;
	s16 =	sadd.s32 $0x80, s16  }
0x3d: {  	s18 =	simm.s32 $0x4;
	s19 =	simm.s32 $0x8;
	s14 =	sor.u32 $0x8000, s14;
	[tilespmem:s17+$0x1830 ss:$0x81] =	vst.msk $0xffff, v5;
	v4 =	vld [tilespmem:s16+$0x30]  }
.LBB1_3:
0x3e: {  	p1 =	sne.s32 s19, $0x1FC;
	v5 =	vld [tilespmem:s16+$0xFFFFFFD0];
	[tilespmem:s17+$0x2040 ss:$0x81] =	vst.msk $0xffff, v1  }
0x3f: {  	v6 =	vld [tilespmem:s16+$0xFFFFFFE0];
	[tilespmem:s17+$0x2850 ss:$0x81] =	vst.msk $0xffff, v2  }
0x40: {  	s20 =	sshra.s32 s18, $0x2;
	s18 =	smov.u32 s19;
	v7 =	vld [tilespmem:s16+$0xFFFFFFF0];
	[tilespmem:s17+$0x3060 ss:$0x81] =	vst.msk $0xffff, v3  }
.Ltmp3:
0x41: {  	v1 =	vld [tilespmem:s16+$0x0];
	[tilespmem:s17+$0x0 ss:$0x81] =	vst.msk $0xffff, v0;
	s17 =	sadd.s32 s20, s15;
	(pc) =	sbr.rel @p1 .LBB1_3-.Ltmp3, $4  }
0x42: {  	v2 =	vld [tilespmem:s16+$0x10];
	[tilespmem:s17+$0x3870 ss:$0x81] =	vst.msk $0xffff, v4  }
0x43: {  	[tilespmem:s17+$0x810 ss:$0x81] =	vst.msk $0xffff, v5;
	v3 =	vld [tilespmem:s16+$0x20]  }
0x44: {  	v0 =	vld [tilespmem:s16+$0xFFFFFFC0];
	[tilespmem:s17+$0x1020 ss:$0x81] =	vst.msk $0xffff, v6;
	s16 =	sadd.s32 $0x80, s16  }
0x45: {  	s19 =	sadd.s32 $0x4, s19;
	v4 =	vld [tilespmem:s16+$0x30];
	[tilespmem:s17+$0x1830 ss:$0x81] =	vst.msk $0xffff, v7  }
.Ltmp4:
0x46: {  	_ = 	snop;
	(pc) =	sbr.rel .LBB1_4-.Ltmp4, $1  }
0x47: {  	_ =	sdelay $0x3  }
.LBB1_6:
0x48: {  	_ =	sfence.sel $0x180000  }
0x49: {  	s2 =	simm.s32 $0x1;
	[bflag:$0x0] =	sbarrier.arrive $0xFFFF  }
0x4a: {  	s31 =	simm.s32 $0x2;
	[sflag:s2] =	ssyncpa.u1 $0x1  }
0x4b: {  	[sflag:s31] =	ssyncpa.u1 $0x1  }
0x4c: {  	p0 =	sne.s32 s0, $0x0;
	_ =	strace $0x90000047  }
0x4d: {  	s0 =	sadd.s32 @!p0 $0x100000, s1;
	[bflag:$0x2] =	sbarrier.arrive $0xFFFF  }
0x4e: {  	[sflag:s0] =	ssyncadd.tile.s32 @!p0 $0x1;
	_ =	shalt  }
.Lfunc_end1:
_tile_overlayer_lowered:
.L_overlay_start_2:
0x4f: {  	(tag) =	ssettag $0x2  }
0x50: {  	s0 =	rddreg [dreg:$0x0];
	s2 =	stileid.u32  }
0x51: {  	s1 =	rddreg [dreg:$0x1];
	p0 =	sne.s32 s2, $0x0  }
0x52: {  	s3 =	rddreg [dreg:$0x2];
	[bflag:$0x3] =	sbarrier.arrive $0xFFFF;
	s2 =	simm.s32 @!p0 $0x1C01  }
0x53: {  	[timem:s3], [sflag:s2] =	dma.local @!p0 [hbm:s0], s1  }
0x54: {  	s0 =	simm.s32 @!p0 $0x1  }
0x55: {  	_ =	swait.ge @!p0 [sflag:s0], s1  }
0x56: {  	s1 =	ssub.s32 @!p0 $0x0, s1;
	[sflag:s0] =	ssyncset.done @!p0 $0x0  }
0x57: {  	[sflag:s0] =	ssyncadd.s32 @!p0 s1  }
0x58: {  	[bflag:$0x3] =	sbarrier.arrive $0xFFFF  }
0x59: {  	_ =	shalt  }

// kernel: sparse-core-data-format-call.cloned.1.call-start
scs
called_computation_lowered:
.L_overlay_start_0:
0x0: {  	s2 =	sld [smem:$0x3FD9]  }
0x1: {  	s3 =	sld [smem:$0x3FFE];
	_ =	sdelay $0x1  }
0x2: {  	s1 =	srdreg.scid  }
0x3: {  	s0 =	sand.u32 $0x1, s1  }
0x4: {  	s18 =	sshll.u32 s0, $0xA;
	s2 =	sadd.s32 s3, s2  }
0x5: {  	s2 =	sadd.s32 s2, s18  }
0x6: {  	[smem:$0x3FC5] =	sst s2  }
0x7: {  	_ = 	snop  }
0x8: {  	(tm) =	ssettm $0x1  }
0x9: {  	s19 =	sld [smem:$0x3FFB];
	_ =	sdelay $0x3  }
0xa: {  	_ =	strace s19  }
0xb: {  	s2 =	sld [smem:$0x3FFC];
	_ =	sdelay $0x3  }
0xc: {  	_ =	strace s2  }
0xd: {  	s2 =	sld [smem:$0x3FFD];
	_ =	sdelay $0x3  }
0xe: {  	_ =	strace s2  }
0xf: {  	_ =	strace $0x8FFFFFFF  }
0x10: {  	s20 =	sld [smem:$0x3FDB];
	_ =	sdelay $0x1  }
0x11: {  	s21 =	simm.s32 $_scs_section_size  }
0x12: {  	s4 =	simm.s32 $_size__tile_overlayer_lowered;
	s5 =	simm.s32 $_tile_overlayer_lowered  }
0x13: {  	s6 =	simm.s32 $0x1BFF;
	s22 =	sshll.u32 s5, $0x1;
	s3 =	sadd.s32 s21, s20  }
0x14: {  	s23 =	simm.s32 $0x0;
	s4 =	sshll.u32 s4, $0x1;
	s5 =	sadd.s32 s22, s3  }
0x15: {  	[timem:s23], [sflag:s6] =	dma.local [hbm:s5], s4  }
0x16: {  	_ =	swait.ge [sflag:s6], s4  }
0x17: {  	s4 =	ssub.s32 $0x0, s4;
	[sflag:s6] =	ssyncset.done $0x0  }
0x18: {  	[sflag:s6] =	ssyncadd.s32 s4;
	_ =	sdelay $0x1  }
0x19: {  	s24 =	simm.s32 $0x1B8B  }
0x1a: {  	_ =	swait.ge [sflag:s24], $0x1  }
0x1b: {  	[sflag:s24] =	ssyncset.done $0x0  }
0x1c: {  	[sflag:s24] =	ssyncadd.s32 $0xFFFFFFFF  }
0x1d: {  	s4 =	sld [smem:$0x0]  }
0x1e: {  	s5 =	sand.u32 $0xFFFFFFFE, s1  }
0x1f: {  	p0 =	sne.s32 s1, s5  }
0x20: {  	s5 =	sshll.u32 @p0 s5, $0xE  }
0x21: {  	s5 =	sadd.s32 @p0 $0x11B8D, s5;
	s6 =	sshll.u32 @p0 s4, $0x11  }
0x22: {  	s5 =	sor.u32 @p0 s6, s5  }
0x23: {  	[sflag:s5] =	ssyncadd.remote.s32 @p0 $0x1;
	_ =	sdelay $0x1  }
0x24: {  	s5 =	simm.s32 @p0 $0x1B8D  }
0x25: {  	_ =	swait.eq @p0 [sflag:s5], $0x1  }
0x26: {  	[sflag:s5] =	ssyncadd.s32 @p0 $0xFFFFFFFF  }
0x27: {  	s6 =	sshll.u32 @!p0 s1, $0xE  }
0x28: {  	s6 =	sor.u32 @!p0 $0x4000, s6;
	s5 =	simm.s32 @!p0 $0x1B8D  }
0x29: {  	s4 =	sshll.u32 @!p0 s4, $0x11;
	s6 =	sadd.s32 @!p0 $0x11B8D, s6;
	_ =	swait.eq @!p0 [sflag:s5], $0x1  }
0x2a: {  	s4 =	sor.u32 @!p0 s4, s6;
	[sflag:s5] =	ssyncadd.s32 @!p0 $0xFFFFFFFF  }
0x2b: {  	s26 =	simm.s32 $0x1B8E;
	s25 =	sld [smem:$0x3FFE];
	[sflag:s4] =	ssyncadd.remote.s32 @!p0 $0x1  }
0x2c: {  	s27 =	simm.s32 $execute0_lowered;
	[smem:$0x3FD2] =	sst s26  }
0x2d: {  	s5 =	sshll.u32 s27, $0x1;
	_ =	strace $0x80000049;
	[dreg:$0x1] =	wrdreg $0xFFFFFFFF  }
0x2e: {  	s28 =	simm.s32 $_size_execute0_lowered;
	s3 =	sadd.s32 s3, s5;
	[dreg:$0x0] =	wrdreg $0x0  }
0x2f: {  	s5 =	sshll.u32 s28, $0x1;
	[dreg:$0x2] =	wrdreg s3  }
0x30: {  	[dreg:$0x3] =	wrdreg s5  }
0x31: {  	[dreg:$0x4] =	wrdreg $0xC0  }
0x32: {  	_ =	task [dreg:s23], $0x5FFFF  }
0x33: {  	[dreg:$0x1] =	wrdreg $0xFFFFFFFF  }
0x34: {  	[dreg:$0x0] =	wrdreg $0x60  }
0x35: {  	[dreg:$0x2] =	wrdreg s25  }
0x36: {  	[dreg:$0x3] =	wrdreg $0x9  }
0x37: {  	_ =	task.clear_ibuf [dreg:s23], $0x4FFFF;
	_ =	strace $0x90000049  }
0x38: {  	s29 =	simm.s32 $0x9;
	_ =	strace $0x8000004B  }
0x39: {  	_ =	swait.ge [sflag:s29], $0x1  }
0x3a: {  	[sflag:s29] =	ssyncadd.s32 $0xFFFFFFFF  }
0x3b: {  	_ =	strace $0x9000004B  }
0x3c: {  	_ =	sfence  }
0x3d: {  	s30 =	sld [smem:$0x0];
	_ =	sdelay $0x2  }
0x3e: {  	s31 =	sshll.u32 s1, $0xD;
	s1 =	sshrl.u32 s1, $0x2  }
0x3f: {  	s4 =	sand.u32 $0x4000, s31;
	s1 =	sadd.s32 s1, s30  }
0x40: {  	s0 =	sor.u32 s4, s0;
	s1 =	sshll.u32 s1, $0x11  }
0x41: {  	s0 =	sor.u32 s1, s0  }
0x42: {  	s0 =	sadd.s32 $0x8F2B, s0  }
0x43: {  	[sflag:s0] =	ssyncadd.remote.s32 $0x1  }
0x44: {  	_ =	sfence.sel $0xFFFF  }
0x45: {  	[dreg:$0x0] =	wrdreg $0xFFFFFFFF;
	(pc) =	sbr.abs _section_cstart, $3  }
0x46: {  	[dreg:$0x1] =	wrdreg $0xFFFFFFFF  }
0x47: {  	_ =	task.clear_ibuf [dreg:s23], $0x2FFFF;
	_ =	strace $0x9FFFFFFF  }
0x48: {  	(tm) =	ssettm $0x7FFFFFFF  }
0x49: {  	_ =	shalt  }
tec
execute0_lowered:
.L_overlay_start_1:
0x0: {  	(tag) =	ssettag $0x1  }
0x1: {  	s7 =	rddreg [dreg:$0x0]  }
0x2: {  	s1 =	stileid.u32;
	s3 =	srdreg.scid  }
0x3: {  	s0 =	rddreg [dreg:$0x1];
	_ =	strace $0x8000004A;
	s8 =	simm.s32 $0x1  }
0x4: {  	s31 =	simm.s32 $0x2;
	s14 =	simm.s32 $0x0;
	s13 =	simm.s32 $0x0  }
0x5: {  	s12 =	simm.s32 $0x0;
	s2 =	sshll.u32 s1, $0x7;
	s3 =	sshll.u32 s3, $0x7  }
0x6: {  	s3 =	sand.u32 $0x80, s3;
	s4 =	ssub.s32 $0x800, s2;
	s11 =	smov.u32 s2  }
0x7: {  	s5 =	sshrl.u32 s4, $0xB;
	s4 =	sand.u32 $0x780, s4;
	s6 =	ssub.s32 $0x1000, s3  }
0x8: {  	p0 =	sne.s32 s4, $0x0;
	s30 =	sshrl.u32 s6, $0x7;
	s6 =	sshrl.u32 s6, $0x8  }
.Ltmp0:
0x9: {  	s8 =	simm.s32 @!p0 $0x0;
	s9 =	sand.u32 $0x1, s30;
	(pc) =	sbr.rel .LBB1_1-.Ltmp0, $4  }
0xa: {  	s4 =	simm.s32 $0x1;
	s5 =	sadd.s32 s8, s5;
	s6 =	sadd.s32 s6, s9  }
0xb: {  	s10 =	smov.u32 s3;
	[sflag:s4] =	ssyncpa.u1 $0x0;
	s5 =	smul.u32 s5, s6  }
0xc: {  	p0 =	por $0x0, $0x0;
	[sflag:s31] =	ssyncpa.u1 $0x0;
	s9 =	simm.s32 $0x4000  }
0xd: {  	s6 =	sadd.s32 $0x501000, s7;
	s7 =	sadd.s32 $0x401000, s7;
	s8 =	sadd.s32 $0x1, s5  }
.LBB1_4:
0xe: {  	v5 =	vld [tilespmem:s17+$0xFFFFFFD0]  }
0xf: {  	[tilespmem:s18+$0x2040 ss:$0x81] =	vst.msk $0xffff, v1;
	v58 =	vld [tilespmem:s17+$0xFFFFFFE0]  }
0x10: {  	[tilespmem:s18+$0x2850 ss:$0x81] =	vst.msk $0xffff, v2;
	v59 =	vld [tilespmem:s17+$0xFFFFFFF0]  }
0x11: {  	s19 =	sshra.s32 s19, $0x2;
	[tilespmem:s18+$0x3060 ss:$0x81] =	vst.msk $0xffff, v3;
	v60 =	vld [tilespmem:s17+$0x0]  }
0x12: {  	[tilespmem:s18+$0x0 ss:$0x81] =	vst.msk $0xffff, v0;
	v61 =	vld [tilespmem:s17+$0x10];
	s16 =	sadd.s32 s19, s16  }
0x13: {  	s26 =	sshll.u32 s14, $0xB;
	v62 =	vld [tilespmem:s17+$0x20];
	[tilespmem:s16+$0x3870 ss:$0x81] =	vst.msk $0xffff, v4  }
0x14: {  	s27 =	sand.u32 $0x78, s13;
	s20 =	sshll.u32 s13, $0x3;
	v63 =	vld [tilespmem:s17+$0xFFFFFFC0];
	s29 =	sshll.u32 s14, $0x7;
	[tilespmem:s16+$0x810 ss:$0x81] =	vst.msk $0xffff, v5  }
0x15: {  	s18 =	sand.u32 $0x7FC000, s26;
	s28 =	sand.u32 $0x7FFC00, s20;
	s20 =	sand.u32 $0x400, s20;
	[tilespmem:s16+$0x1020 ss:$0x81] =	vst.msk $0xffff, v58  }
0x16: {  	s14 =	sand.u32 $0x380, s29;
	s17 =	sadd.s32 s28, s18;
	s30 =	sor.u32 s27, s20;
	[tilespmem:s16+$0x1830 ss:$0x81] =	vst.msk $0xffff, v59  }
0x17: {  	s17 =	sand.u32 $0x7FF800, s17;
	s14 =	sor.u32 s14, s30;
	[tilespmem:s16+$0x2040 ss:$0x81] =	vst.msk $0xffff, v60  }
0x18: {  	s31 =	sand.u32 $0x7, s13;
	s14 =	sor.u32 s17, s14;
	[tilespmem:s16+$0x2850 ss:$0x81] =	vst.msk $0xffff, v61  }
0x19: {  	s13 =	sshll.u32 s31, $0x12;
	[tilespmem:s16+$0x3060 ss:$0x81] =	vst.msk $0xffff, v62;
	s14 =	sshrl.u32 s14, $0x3  }
0x1a: {  	s13 =	sor.u32 $0x400, s13;
	[tilespmem:s16+$0x0 ss:$0x81] =	vst.msk $0xffff, v63;
	s14 =	sadd.s32 s7, s14  }
0x1b: {  	[hbm4b:s14+s13] =	stream.strided.scatter [tilespmem:s15], [sflag:$0x2], $0x4000, s9, s13, $0x20;
	[tilespmem:$0x10100] =	vst v63  }
.LBB1_5:
0x1c: {  	s15 =	sadd.s32 $0x100, s10  }
0x1d: {  	s13 =	sadd.s32 $0x800, s11;
	s17 =	smov.u32 s11;
	p2 =	sgt.s32 s15, $0xFFF  }
0x1e: {  	s17 =	smov.u32 @p2 s13  }
0x1f: {  	s15 =	smov.u32 @p2 s3;
	p2 =	sgt.s32 s17, $0x7FF  }
0x20: {  	s17 =	smov.u32 @p2 s2;
	p2 =	sne.s32 s12, s8  }
.Ltmp1:
0x21: {  	p1 =	slt.u32 s12, $0x2;
	(pc) =	sbr.rel @!p2 .LBB1_6-.Ltmp1, $4  }
0x22: {  	s16 =	simm.s32 @!p1 $0x2  }
0x23: {  	s14 =	smov.u32 s10;
	p0 =	por !p0, !p0;
	_ =	swait.ge @!p1 [sflag:s16], $0x4000  }
0x24: {  	s13 =	smov.u32 s11;
	[sflag:s16] =	ssyncset.done @!p1 $0x0;
	s10 =	smov.u32 s15  }
0x25: {  	s12 =	sadd.s32 $0x1, s12;
	[sflag:s16] =	ssyncadd.s32 @!p1 $0xFFFFC000;
	s11 =	smov.u32 s17  }
.LBB1_1:
0x26: {  	p1 =	sge.u32 s12, s5;
	s31 =	sadd.s32 $0xFFFFFFFF, s12  }
0x27: {  	s15 =	sand.u32 @!p1 $0x78, s10;
	s16 =	sshll.u32 @!p1 s11, $0xC;
	s17 =	sshll.u32 @!p1 s11, $0x7  }
0x28: {  	s18 =	sshll.u32 @!p1 s10, $0x3;
	s16 =	sand.u32 @!p1 $0x7F8000, s16;
	s17 =	sand.u32 @!p1 $0x380, s17  }
0x29: {  	s16 =	sadd.s32 @!p1 s16, s18;
	s18 =	sand.u32 @!p1 $0xC00, s18;
	s15 =	sor.u32 @!p1 s17, s15  }
0x2a: {  	s17 =	sxor.u32 @!p1 $0xFFFFFFFF, s12;
	s16 =	sand.u32 @!p1 $0x7FF000, s16;
	s15 =	sor.u32 @!p1 s18, s15  }
0x2b: {  	s17 =	sshll.u32 @!p1 s17, $0xE;
	s15 =	sor.u32 @!p1 s16, s15;
	s16 =	sand.u32 @!p1 $0x7, s10  }
0x2c: {  	s18 =	simm.s32 @!p1 $0x8000;
	s15 =	sshrl.u32 @!p1 s15, $0x3;
	s16 =	sshll.u32 @!p1 s16, $0x12  }
0x2d: {  	s17 =	sand.u32 @!p1 $0x4000, s17;
	s15 =	sadd.s32 @!p1 s6, s15;
	s16 =	sor.u32 @!p1 $0x400, s16  }
0x2e: {  	[tilespmem:s17], [sflag:$0x1] =	stream.strided.gather @!p1 [hbm4b:s15+s16], $0x4000, s18, s16, $0x38;
	[tilespmem:$0x10100] =	vst v63  }
0x2f: {  	p1 =	sge.u32 s31, s5  }
.Ltmp2:
0x30: {  	_ = 	snop;
	(pc) =	sbr.rel @p1 .LBB1_5-.Ltmp2, $1  }
0x31: {  	_ =	sdelay $0x3  }
0x32: {  	s15 =	simm.s32 $0x1  }
0x33: {  	_ =	swait.ge [sflag:s4], $0x4000;
	s15 =	simm.s32 @!p0 $0x0  }
0x34: {  	[sflag:s4] =	ssyncset.done $0x0;
	s16 =	sshll.u32 s15, $0xE  }
0x35: {  	[sflag:s4] =	ssyncadd.s32 $0xFFFFC000;
	s17 =	sor.u32 $0x40, s16  }
0x36: {  	s15 =	smul.u32 $0x10200, s15;
	v0 =	vld [tilespmem:s17+$0x30]  }
0x37: {  	v3 =	vld [tilespmem:s17+$0xFFFFFFD0]  }
0x38: {  	s15 =	sshrl.u32 s15, $0x2;
	v4 =	vld [tilespmem:s17+$0xFFFFFFE0]  }
0x39: {  	v5 =	vld [tilespmem:s17+$0xFFFFFFF0];
	s16 =	sor.u32 $0x8000, s15  }
0x3a: {  	s31 =	sand.u32 $0x1, s12;
	v1 =	vld [tilespmem:s17+$0x0];
	s18 =	sadd.s32 $0x0, s16  }
0x3b: {  	v2 =	vld [tilespmem:s17+$0x10];
	s15 =	smul.u32 $0x10200, s31;
	[tilespmem:s18+$0x3870 ss:$0x81] =	vst.msk $0xffff, v0  }
0x3c: {  	[tilespmem:s18+$0x810 ss:$0x81] =	vst.msk $0xffff, v3;
	v3 =	vld [tilespmem:s17+$0x20]  }
0x3d: {  	s15 =	sshrl.u32 s15, $0x2;
	v0 =	vld [tilespmem:s17+$0xFFFFFFC0];
	[tilespmem:s18+$0x1020 ss:$0x81] =	vst.msk $0xffff, v4;
	s17 =	sadd.s32 $0x80, s17  }
0x3e: {  	s19 =	simm.s32 $0x4;
	s20 =	simm.s32 $0x8;
	s15 =	sor.u32 $0x8000, s15;
	[tilespmem:s18+$0x1830 ss:$0x81] =	vst.msk $0xffff, v5;
	v4 =	vld [tilespmem:s17+$0x30]  }
.LBB1_3:
0x3f: {  	p1 =	sne.s32 s20, $0x1FC;
	v5 =	vld [tilespmem:s17+$0xFFFFFFD0];
	[tilespmem:s18+$0x2040 ss:$0x81] =	vst.msk $0xffff, v1  }
0x40: {  	v6 =	vld [tilespmem:s17+$0xFFFFFFE0];
	[tilespmem:s18+$0x2850 ss:$0x81] =	vst.msk $0xffff, v2  }
0x41: {  	s21 =	sshra.s32 s19, $0x2;
	s19 =	smov.u32 s20;
	v7 =	vld [tilespmem:s17+$0xFFFFFFF0];
	[tilespmem:s18+$0x3060 ss:$0x81] =	vst.msk $0xffff, v3  }
.Ltmp3:
0x42: {  	v1 =	vld [tilespmem:s17+$0x0];
	[tilespmem:s18+$0x0 ss:$0x81] =	vst.msk $0xffff, v0;
	s18 =	sadd.s32 s21, s16;
	(pc) =	sbr.rel @p1 .LBB1_3-.Ltmp3, $4  }
0x43: {  	v2 =	vld [tilespmem:s17+$0x10];
	[tilespmem:s18+$0x3870 ss:$0x81] =	vst.msk $0xffff, v4  }
0x44: {  	[tilespmem:s18+$0x810 ss:$0x81] =	vst.msk $0xffff, v5;
	v3 =	vld [tilespmem:s17+$0x20]  }
0x45: {  	v0 =	vld [tilespmem:s17+$0xFFFFFFC0];
	[tilespmem:s18+$0x1020 ss:$0x81] =	vst.msk $0xffff, v6;
	s17 =	sadd.s32 $0x80, s17  }
0x46: {  	s20 =	sadd.s32 $0x4, s20;
	v4 =	vld [tilespmem:s17+$0x30];
	[tilespmem:s18+$0x1830 ss:$0x81] =	vst.msk $0xffff, v7  }
.Ltmp4:
0x47: {  	_ = 	snop;
	(pc) =	sbr.rel .LBB1_4-.Ltmp4, $1  }
0x48: {  	_ =	sdelay $0x3  }
.LBB1_6:
0x49: {  	_ =	sfence.sel $0x180000  }
0x4a: {  	s2 =	simm.s32 $0x1;
	[bflag:$0x0] =	sbarrier.arrive $0xFFFF  }
0x4b: {  	s31 =	simm.s32 $0x2;
	[sflag:s2] =	ssyncpa.u1 $0x1  }
0x4c: {  	[sflag:s31] =	ssyncpa.u1 $0x1  }
0x4d: {  	p0 =	sne.s32 s1, $0x0;
	_ =	strace $0x9000004A  }
0x4e: {  	s0 =	sadd.s32 @!p0 $0x100000, s0;
	[bflag:$0x2] =	sbarrier.arrive $0xFFFF  }
0x4f: {  	[sflag:s0] =	ssyncadd.tile.s32 @!p0 $0x1;
	_ =	shalt  }
.Lfunc_end1:
_tile_overlayer_lowered:
.L_overlay_start_2:
0x50: {  	(tag) =	ssettag $0x2  }
0x51: {  	s0 =	rddreg [dreg:$0x0];
	s2 =	stileid.u32  }
0x52: {  	s1 =	rddreg [dreg:$0x1];
	p0 =	sne.s32 s2, $0x0  }
0x53: {  	s3 =	rddreg [dreg:$0x2];
	[bflag:$0x3] =	sbarrier.arrive $0xFFFF;
	s2 =	simm.s32 @!p0 $0x1C01  }
0x54: {  	[timem:s3], [sflag:s2] =	dma.local @!p0 [hbm:s0], s1  }
0x55: {  	s0 =	simm.s32 @!p0 $0x1  }
0x56: {  	_ =	swait.ge @!p0 [sflag:s0], s1  }
0x57: {  	s1 =	ssub.s32 @!p0 $0x0, s1;
	[sflag:s0] =	ssyncset.done @!p0 $0x0  }
0x58: {  	[sflag:s0] =	ssyncadd.s32 @!p0 s1  }
0x59: {  	[bflag:$0x3] =	sbarrier.arrive $0xFFFF  }
0x5a: {  	_ =	shalt  }

</sc_bundles>
